<compile_context>
chip_gen: v7x
topology: tpu7x:2x2x1
jax: 0.10.2.dev20260603
libtpu: 0.0.44.dev20260713+nightly
codegen_flags: <defaults>
</compile_context>

<pallas_src>
import functools
import math

import jax
import jax.numpy as jnp
from jax import lax
from jax.experimental import pallas as pl
from jax.experimental.pallas import tpu as pltpu
from jax.experimental.pallas import tpu_sc as plsc

_B = 32
_SEQ = 2500
_D = 1024
_LANES = 16
_SCALE = math.sqrt(_D)

_NC, _NS = 2, 16
_NW = _NC * _NS


def _sc_body(pos_hbm, x_hbm, pe_hbm, alpha_hbm, out_hbm,
             pos_v, idx_v, row_v, x_v, alpha_v, sem, sem2):
    wid = lax.axis_index("s") * _NC + lax.axis_index("c")
    xcp = pltpu.async_copy(x_hbm.at[wid], x_v, sem2)
    acp = pltpu.async_copy(alpha_hbm, alpha_v, sem2)
    pltpu.sync_copy(pos_hbm, pos_v)
    half = wid // _LANES
    lane = wid % _LANES
    posv = pos_v[pl.ds(pl.multiple_of(half * _LANES, _LANES), _LANES)]
    batchv = half * _LANES + jnp.arange(_LANES, dtype=jnp.int32)
    flatv = (posv - 1) * _B + batchv
    plsc.store_scatter(idx_v, [jnp.arange(_LANES, dtype=jnp.int32) * 8], flatv)
    gather = pltpu.async_copy(
        pe_hbm.at[idx_v.at[pl.ds(pl.multiple_of(lane * 8, 8), 1)]], row_v, sem)
    acp.wait()
    xcp.wait()
    gather.wait()
    alpha_vec = plsc.load_gather(alpha_v, [jnp.zeros((_LANES,), jnp.int32)])

    def fma(j, carry):
        sl = pl.ds(pl.multiple_of(j * _LANES, _LANES), _LANES)
        x_v[0, sl] = x_v[0, sl] * _SCALE + alpha_vec * row_v[0, sl]
        return carry

    lax.fori_loop(0, _D // _LANES, fma, 0)
    pltpu.sync_copy(x_v, out_hbm.at[wid])


_sc_call = functools.partial(
    pl.kernel,
    mesh=plsc.VectorSubcoreMesh(core_axis_name="c", subcore_axis_name="s"),
    compiler_params=pltpu.CompilerParams(needs_layout_passes=False),
    out_type=jax.ShapeDtypeStruct((_B, 1, _D), jnp.float32),
    scratch_types=[
        pltpu.VMEM((_B,), jnp.int32),
        pltpu.VMEM((_LANES * 8,), jnp.int32),
        pltpu.VMEM((1, _D), jnp.float32),
        pltpu.VMEM((1, _D), jnp.float32),
        pltpu.VMEM((1,), jnp.float32),
        pltpu.SemaphoreType.DMA,
        pltpu.SemaphoreType.DMA,
    ],
)(_sc_body)


@jax.jit
def kernel(input_pos, x, pe, alpha):
    pe_rows = pe.transpose(1, 0, 2).reshape(_SEQ * _B, _D)
    return _sc_call(input_pos, x, pe_rows, alpha.astype(jnp.float32))

# --- scband reference (transcript-rebuilt; emitter-appended) ---
"""Pipeline reference for scband-sine-positional-embedding-nested-21998822490211 (READ-ONLY COPY).

The authoritative reference and input builder live on the scoring server;
editing this copy changes nothing except your own understanding.
"""

import math
import jax, jax.numpy as jnp
import numpy as np

MAX_BATCH = 32
MAX_SEQ = 2500
D = 1024
X_SCALE = math.sqrt(D)  # scale=True

def _build_pe():
    position = jnp.arange(MAX_SEQ, dtype=jnp.float32)[:, None]
    div_term = jnp.exp(jnp.arange(0, D, 2, dtype=jnp.float32) * -(math.log(10000.0) / D))
    pe_row = jnp.zeros((MAX_SEQ, D), dtype=jnp.float32)
    pe_row = pe_row.at[:, 0::2].set(jnp.sin(position * div_term))
    pe_row = pe_row.at[:, 1::2].set(jnp.cos(position * div_term))
    pe = jnp.broadcast_to(pe_row[None, :, :], (MAX_BATCH, MAX_SEQ, D))
    return pe

def setup_inputs(seed: int = 0) -> dict:
    key = jax.random.key(seed)
    k1, k2 = jax.random.split(key)
    input_pos = jax.random.randint(k1, (32,), 1, MAX_SEQ + 1, dtype=jnp.int32)
    x = jax.random.normal(k2, (32, 1, D), dtype=jnp.float32)
    pe = _build_pe()
    alpha = jnp.ones((1,), dtype=jnp.float32)
    return {"input_pos": input_pos, "x": x, "pe": pe, "alpha": alpha}

def reference(input_pos, x, pe, alpha):
    batch_size = x.shape[0]
    pe_values = pe[jnp.arange(batch_size), input_pos - 1]  # [B, D]
    return x * X_SCALE + alpha * pe_values[:, None, :]

if __name__ == "__main__":
    import jax
    _d = setup_inputs()
    print(jax.jit(kernel)(*tuple(_d.values())))

</pallas_src>

<mosaic_0001>
#map = affine_map<(d0, d1) -> (0)>
#map1 = affine_map<(d0, d1) -> (0, 0, 0)>
#map2 = affine_map<(d0, d1) -> (0, 0)>
module attributes {stable_mosaic.version = 14 : i64} {
  func.func @_sc_body(%arg0: i32, %arg1: i32, %arg2: memref<32xi32, #tpu.memory_space<hbm>>, %arg3: memref<32x1x1024xf32, #tpu.memory_space<hbm>>, %arg4: memref<80000x1024xf32, #tpu.memory_space<hbm>>, %arg5: memref<1xf32, #tpu.memory_space<hbm>>, %arg6: memref<32x1x1024xf32, #tpu.memory_space<hbm>>, %arg7: memref<32xi32, #tpu.memory_space<vmem>>, %arg8: memref<128xi32, #tpu.memory_space<vmem>>, %arg9: memref<1x1024xf32, #tpu.memory_space<vmem>>, %arg10: memref<1x1024xf32, #tpu.memory_space<vmem>>, %arg11: memref<1xf32, #tpu.memory_space<vmem>>, %arg12: memref<!tpu.dma_semaphore, #tpu.memory_space<semaphore_mem>>, %arg13: memref<!tpu.dma_semaphore, #tpu.memory_space<semaphore_mem>>) attributes {dimension_semantics = [#tpu.dimension_semantics<core_parallel>, #tpu.dimension_semantics<subcore_parallel>], iteration_bounds = array<i64: 2, 16>, scalar_prefetch = 0 : i64, scratch_operands = 7 : i64, tpu.core_type = #tpu.core_type<sc_vector_subcore>, window_params = [{transform_indices = #map}, {transform_indices = #map1}, {transform_indices = #map2}, {transform_indices = #map}, {transform_indices = #map1}]} {
    %mul3A = arith.constant 2 : i32
    %mul3A_0 = arith.muli %arg1, %mul3A : i32
    %add3A = arith.addi %mul3A_0, %arg0 : i32
    %dma_start3A = arith.constant 0 : i32
    %dma_start3A_1 = arith.constant 0 : i32
    %dma_start3A_2 = tpu.memref_slice %arg3[%add3A, %dma_start3A, %dma_start3A_1] : memref<32x1x1024xf32, #tpu.memory_space<hbm>> -> memref<1x1x1024xf32, #tpu.memory_space<hbm>>
    %dma_start3A_3 = tpu.memref_squeeze %dma_start3A_2 : memref<1x1x1024xf32, #tpu.memory_space<hbm>> -> memref<1x1024xf32, #tpu.memory_space<hbm>>
    %dma_start3A_4 = arith.constant 0 : i32
    %dma_start3A_5 = arith.constant 0 : i32
    %dma_start3A_6 = tpu.memref_slice %arg3[%add3A, %dma_start3A_4, %dma_start3A_5] : memref<32x1x1024xf32, #tpu.memory_space<hbm>> -> memref<1x1x1024xf32, #tpu.memory_space<hbm>>
    %dma_start3A_7 = tpu.memref_squeeze %dma_start3A_6 : memref<1x1x1024xf32, #tpu.memory_space<hbm>> -> memref<1x1024xf32, #tpu.memory_space<hbm>>
    tpu.enqueue_dma source(%dma_start3A_7 : memref<1x1024xf32, #tpu.memory_space<hbm>>) target(%arg10 : memref<1x1024xf32, #tpu.memory_space<vmem>>) target_semaphore(%arg13 : memref<!tpu.dma_semaphore, #tpu.memory_space<semaphore_mem>>)
    tpu.enqueue_dma source(%arg5 : memref<1xf32, #tpu.memory_space<hbm>>) target(%arg11 : memref<1xf32, #tpu.memory_space<vmem>>) target_semaphore(%arg13 : memref<!tpu.dma_semaphore, #tpu.memory_space<semaphore_mem>>)
    "tpu.region"() ({
      %run_scoped3A = tpu.sem_alloc : memref<!tpu.dma_semaphore, #tpu.memory_space<semaphore_mem>>
      tpu.enqueue_dma source(%arg2 : memref<32xi32, #tpu.memory_space<hbm>>) target(%arg7 : memref<32xi32, #tpu.memory_space<vmem>>) target_semaphore(%run_scoped3A : memref<!tpu.dma_semaphore, #tpu.memory_space<semaphore_mem>>)
      tpu.wait_dma2 semaphore(%run_scoped3A : memref<!tpu.dma_semaphore, #tpu.memory_space<semaphore_mem>>) src(%arg2 : memref<32xi32, #tpu.memory_space<hbm>>) dst(%arg7 : memref<32xi32, #tpu.memory_space<vmem>>)
      tpu.yield
    }) : () -> ()
    %jit3A = arith.constant 16 : i32
    %div3A = arith.divsi %add3A, %jit3A : i32
    %sign3A = arith.constant 0 : i32
    %sign3A_8 = arith.cmpi sgt, %add3A, %sign3A : i32
    %sign3A_9 = arith.extui %sign3A_8 : i1 to i32
    %sign3A_10 = arith.constant 0 : i32
    %sign3A_11 = arith.cmpi slt, %add3A, %sign3A_10 : i32
    %sign3A_12 = arith.extui %sign3A_11 : i1 to i32
    %sign3A_13 = arith.subi %sign3A_9, %sign3A_12 : i32
    %sign3A_14 = arith.constant 0 : i32
    %sign3A_15 = arith.cmpi sgt, %jit3A, %sign3A_14 : i32
    %sign3A_16 = arith.extui %sign3A_15 : i1 to i32
    %sign3A_17 = arith.constant 0 : i32
    %sign3A_18 = arith.cmpi slt, %jit3A, %sign3A_17 : i32
    %sign3A_19 = arith.extui %sign3A_18 : i1 to i32
    %sign3A_20 = arith.subi %sign3A_16, %sign3A_19 : i32
    %ne3A = arith.cmpi ne, %sign3A_13, %sign3A_20 : i32
    %rem3A = arith.remsi %add3A, %jit3A : i32
    %ne3A_21 = arith.constant 0 : i32
    %ne3A_22 = arith.cmpi ne, %rem3A, %ne3A_21 : i32
    %and3A = arith.andi %ne3A, %ne3A_22 : i1
    %sub3A = arith.constant 1 : i32
    %sub3A_23 = arith.subi %div3A, %sub3A : i32
    %select_n3A = arith.select %and3A, %sub3A_23, %div3A : i32
    %jit3A_24 = arith.constant 16 : i32
    %eq3A = arith.constant 0 : i32
    %eq3A_25 = arith.cmpi eq, %jit3A_24, %eq3A : i32
    %jit3A_26 = arith.constant 1 : i32
    %select_n3A_27 = arith.select %eq3A_25, %jit3A_26, %jit3A_24 : i32
    %rem3A_28 = arith.remsi %add3A, %select_n3A_27 : i32
    %ne3A_29 = arith.constant 0 : i32
    %ne3A_30 = arith.cmpi ne, %rem3A_28, %ne3A_29 : i32
    %lt3A = arith.constant 0 : i32
    %lt3A_31 = arith.cmpi slt, %rem3A_28, %lt3A : i32
    %lt3A_32 = arith.constant 0 : i32
    %lt3A_33 = arith.cmpi slt, %select_n3A_27, %lt3A_32 : i32
    %ne3A_34 = arith.xori %lt3A_31, %lt3A_33 : i1
    %and3A_35 = arith.andi %ne3A_34, %ne3A_30 : i1
    %add3A_36 = arith.addi %rem3A_28, %select_n3A_27 : i32
    %select_n3A_37 = arith.select %and3A_35, %add3A_36, %rem3A_28 : i32
    %mul3A_38 = arith.constant 16 : i32
    %mul3A_39 = arith.muli %select_n3A, %mul3A_38 : i32
    %multiple_of3A = tpu.assume_multiple %mul3A_39, 16 : i32
    %get3A = arith.index_cast %multiple_of3A : i32 to index
    %get3A_40 = tpu.vector_load %arg7[%get3A] {strides = array<i32>} : memref<32xi32, #tpu.memory_space<vmem>>, vector<16xi32>,
    %mul3A_41 = arith.constant 16 : i32
    %mul3A_42 = arith.muli %select_n3A, %mul3A_41 : i32
    %iota3A = tpu.iota {dimensions = array<i32: 0>} : vector<16xi32>
    %add3A_43 = vector.broadcast %mul3A_42 : i32 to vector<16xi32>
    %add3A_44 = arith.addi %add3A_43, %iota3A : vector<16xi32>
    %sub3A_45 = arith.constant 1 : i32
    %sub3A_46 = vector.broadcast %sub3A_45 : i32 to vector<16xi32>
    %sub3A_47 = arith.subi %get3A_40, %sub3A_46 : vector<16xi32>
    %mul3A_48 = arith.constant 32 : i32
    %mul3A_49 = vector.broadcast %mul3A_48 : i32 to vector<16xi32>
    %mul3A_50 = arith.muli %sub3A_47, %mul3A_49 : vector<16xi32>
    %add3A_51 = arith.addi %mul3A_50, %add3A_44 : vector<16xi32>
    %iota3A_52 = tpu.iota {dimensions = array<i32: 0>} : vector<16xi32>
    %mul3A_53 = arith.constant 8 : i32
    %mul3A_54 = vector.broadcast %mul3A_53 : i32 to vector<16xi32>
    %mul3A_55 = arith.muli %iota3A_52, %mul3A_54 : vector<16xi32>
    tpu.vector_store_idx %arg8[%mul3A_55], %add3A_51 : memref<128xi32, #tpu.memory_space<vmem>>[vector<16xi32>], vector<16xi32>,
    %mul3A_56 = arith.constant 8 : i32
    %mul3A_57 = arith.muli %select_n3A_37, %mul3A_56 : i32
    %multiple_of3A_58 = tpu.assume_multiple %mul3A_57, 8 : i32
    %dma_start3A_59 = tpu.memref_slice %arg8[%multiple_of3A_58] : memref<128xi32, #tpu.memory_space<vmem>> -> memref<1xi32, #tpu.memory_space<vmem>>
    %dma_start3A_60 = arith.constant 0 : i32
    %dma_start3A_61 = arith.constant 0 : i32
    %dma_start3A_62 = tpu.memref_slice %arg4[%dma_start3A_60, %dma_start3A_61] : memref<80000x1024xf32, #tpu.memory_space<hbm>> -> memref<80000x1024xf32, #tpu.memory_space<hbm>>
    tpu.enqueue_indirect_dma source(%dma_start3A_62 : memref<80000x1024xf32, #tpu.memory_space<hbm>>) target(%arg9 : memref<1x1024xf32, #tpu.memory_space<vmem>>) offsets(%dma_start3A_59 : memref<1xi32, #tpu.memory_space<vmem>>) semaphore(%arg12 : memref<!tpu.dma_semaphore, #tpu.memory_space<semaphore_mem>>)
    tpu.wait_dma2 semaphore(%arg13 : memref<!tpu.dma_semaphore, #tpu.memory_space<semaphore_mem>>) src(%arg5 : memref<1xf32, #tpu.memory_space<hbm>>) dst(%arg11 : memref<1xf32, #tpu.memory_space<vmem>>)
    %dma_wait3A = arith.constant 0 : i32
    %dma_wait3A_63 = arith.constant 0 : i32
    %dma_wait3A_64 = tpu.memref_slice %arg3[%add3A, %dma_wait3A, %dma_wait3A_63] : memref<32x1x1024xf32, #tpu.memory_space<hbm>> -> memref<1x1x1024xf32, #tpu.memory_space<hbm>>
    %dma_wait3A_65 = tpu.memref_squeeze %dma_wait3A_64 : memref<1x1x1024xf32, #tpu.memory_space<hbm>> -> memref<1x1024xf32, #tpu.memory_space<hbm>>
    %dma_wait3A_66 = arith.constant 0 : i32
    %dma_wait3A_67 = arith.constant 0 : i32
    %dma_wait3A_68 = tpu.memref_slice %arg3[%add3A, %dma_wait3A_66, %dma_wait3A_67] : memref<32x1x1024xf32, #tpu.memory_space<hbm>> -> memref<1x1x1024xf32, #tpu.memory_space<hbm>>
    %dma_wait3A_69 = tpu.memref_squeeze %dma_wait3A_68 : memref<1x1x1024xf32, #tpu.memory_space<hbm>> -> memref<1x1024xf32, #tpu.memory_space<hbm>>
    tpu.wait_dma2 semaphore(%arg13 : memref<!tpu.dma_semaphore, #tpu.memory_space<semaphore_mem>>) src(%dma_wait3A_69 : memref<1x1024xf32, #tpu.memory_space<hbm>>) dst(%arg10 : memref<1x1024xf32, #tpu.memory_space<vmem>>)
    %dma_wait3A_70 = tpu.memref_slice %arg8[%multiple_of3A_58] : memref<128xi32, #tpu.memory_space<vmem>> -> memref<1xi32, #tpu.memory_space<vmem>>
    %dma_wait3A_71 = arith.constant 0 : i32
    %dma_wait3A_72 = arith.constant 0 : i32
    %dma_wait3A_73 = tpu.memref_slice %arg4[%dma_wait3A_71, %dma_wait3A_72] : memref<80000x1024xf32, #tpu.memory_space<hbm>> -> memref<80000x1024xf32, #tpu.memory_space<hbm>>
    tpu.wait_indirect_dma semaphore(%arg12 : memref<!tpu.dma_semaphore, #tpu.memory_space<semaphore_mem>>) src(%dma_wait3A_73 : memref<80000x1024xf32, #tpu.memory_space<hbm>>) dst(%arg9 : memref<1x1024xf32, #tpu.memory_space<vmem>>)
    %broadcast_in_dim3A = arith.constant 0 : i32
    %broadcast_in_dim3A_74 = vector.broadcast %broadcast_in_dim3A : i32 to vector<16xi32>
    %gather3A = tpu.vector_load_idx %arg11[%broadcast_in_dim3A_74] : memref<1xf32, #tpu.memory_space<vmem>>[vector<16xi32>], vector<16xf32>,
    %scan3A = arith.constant 0 : i32
    %scan3A_75 = arith.constant 0 : i32
    %scan3A_76 = arith.constant 64 : i32
    %scan3A_77 = arith.addi %scan3A_75, %scan3A_76 : i32
    %scan3A_78 = arith.constant 1 : i32
    scf.for %scan3A_80 = %scan3A_75 to %scan3A_77 step %scan3A_78  : i32 {
      %mul3A_81 = arith.constant 16 : i32
      %mul3A_82 = arith.muli %scan3A_80, %mul3A_81 : i32
      %multiple_of3A_83 = tpu.assume_multiple %mul3A_82, 16 : i32
      %get3A_84 = arith.constant 0 : i32
      %get3A_85 = arith.index_cast %get3A_84 : i32 to index
      %get3A_86 = arith.index_cast %multiple_of3A_83 : i32 to index
      %get3A_87 = tpu.vector_load %arg10[%get3A_85, %get3A_86] {strides = array<i32>} : memref<1x1024xf32, #tpu.memory_space<vmem>>, vector<16xf32>,
      %mul3A_88 = arith.constant 3.200000e+01 : f32
      %mul3A_89 = vector.broadcast %mul3A_88 : f32 to vector<16xf32>
      %mul3A_90 = arith.mulf %get3A_87, %mul3A_89 : vector<16xf32>
      %get3A_91 = arith.constant 0 : i32
      %get3A_92 = arith.index_cast %get3A_91 : i32 to index
      %get3A_93 = arith.index_cast %multiple_of3A_83 : i32 to index
      %get3A_94 = tpu.vector_load %arg9[%get3A_92, %get3A_93] {strides = array<i32>} : memref<1x1024xf32, #tpu.memory_space<vmem>>, vector<16xf32>,
      %mul3A_95 = arith.mulf %gather3A, %get3A_94 : vector<16xf32>
      %add3A_96 = arith.addf %mul3A_90, %mul3A_95 : vector<16xf32>
      %swap3A = arith.constant 0 : i32
      %swap3A_97 = arith.index_cast %swap3A : i32 to index
      %swap3A_98 = arith.index_cast %multiple_of3A_83 : i32 to index
      %swap3A_99 = tpu.vector_load %arg10[%swap3A_97, %swap3A_98] {strides = array<i32>} : memref<1x1024xf32, #tpu.memory_space<vmem>>, vector<16xf32>,
      tpu.vector_store %arg10[%swap3A_97, %swap3A_98], %add3A_96 {strides = array<i32>} : memref<1x1024xf32, #tpu.memory_space<vmem>>, vector<16xf32>,
    }
    %scan3A_79 = arith.constant 64 : i32
    "tpu.region"() ({
      %run_scoped3A = tpu.sem_alloc : memref<!tpu.dma_semaphore, #tpu.memory_space<semaphore_mem>>
      %dma_start3A_80 = arith.constant 0 : i32
      %dma_start3A_81 = arith.constant 0 : i32
      %dma_start3A_82 = tpu.memref_slice %arg6[%add3A, %dma_start3A_80, %dma_start3A_81] : memref<32x1x1024xf32, #tpu.memory_space<hbm>> -> memref<1x1x1024xf32, #tpu.memory_space<hbm>>
      %dma_start3A_83 = tpu.memref_squeeze %dma_start3A_82 : memref<1x1x1024xf32, #tpu.memory_space<hbm>> -> memref<1x1024xf32, #tpu.memory_space<hbm>>
      %dma_start3A_84 = arith.constant 0 : i32
      %dma_start3A_85 = arith.constant 0 : i32
      %dma_start3A_86 = tpu.memref_slice %arg6[%add3A, %dma_start3A_84, %dma_start3A_85] : memref<32x1x1024xf32, #tpu.memory_space<hbm>> -> memref<1x1x1024xf32, #tpu.memory_space<hbm>>
      %dma_start3A_87 = tpu.memref_squeeze %dma_start3A_86 : memref<1x1x1024xf32, #tpu.memory_space<hbm>> -> memref<1x1024xf32, #tpu.memory_space<hbm>>
      tpu.enqueue_dma source(%arg10 : memref<1x1024xf32, #tpu.memory_space<vmem>>) target(%dma_start3A_87 : memref<1x1024xf32, #tpu.memory_space<hbm>>) target_semaphore(%run_scoped3A : memref<!tpu.dma_semaphore, #tpu.memory_space<semaphore_mem>>)
      %dma_wait3A_88 = arith.constant 0 : i32
      %dma_wait3A_89 = arith.constant 0 : i32
      %dma_wait3A_90 = tpu.memref_slice %arg6[%add3A, %dma_wait3A_88, %dma_wait3A_89] : memref<32x1x1024xf32, #tpu.memory_space<hbm>> -> memref<1x1x1024xf32, #tpu.memory_space<hbm>>
      %dma_wait3A_91 = tpu.memref_squeeze %dma_wait3A_90 : memref<1x1x1024xf32, #tpu.memory_space<hbm>> -> memref<1x1024xf32, #tpu.memory_space<hbm>>
      %dma_wait3A_92 = arith.constant 0 : i32
      %dma_wait3A_93 = arith.constant 0 : i32
      %dma_wait3A_94 = tpu.memref_slice %arg6[%add3A, %dma_wait3A_92, %dma_wait3A_93] : memref<32x1x1024xf32, #tpu.memory_space<hbm>> -> memref<1x1x1024xf32, #tpu.memory_space<hbm>>
      %dma_wait3A_95 = tpu.memref_squeeze %dma_wait3A_94 : memref<1x1x1024xf32, #tpu.memory_space<hbm>> -> memref<1x1024xf32, #tpu.memory_space<hbm>>
      tpu.wait_dma2 semaphore(%run_scoped3A : memref<!tpu.dma_semaphore, #tpu.memory_space<semaphore_mem>>) src(%arg10 : memref<1x1024xf32, #tpu.memory_space<vmem>>) dst(%dma_wait3A_95 : memref<1x1024xf32, #tpu.memory_space<hbm>>)
      tpu.yield
    }) : () -> ()
    return
  }
}

</mosaic_0001>

<sc_bundles>
// kernel: kernel.3.cloned.1.call-start
scs
__scs_entry_jumppad:
0x0: {  	(pc) =	sbr.rel $0x88, $3  }
0x1: {  	(tag) =	ssettag $0x0;
	lr =	simm.s32 $0x1  }
0x2: {  	[smem:$0x3F9D] =	sst lr;
	_ =	strace $0xD0000000  }
0x3: {  	_ = 	snop  }
0x4: {  	_ = 	snop  }
0x5: {  	_ = 	snop  }
0x6: {  	_ = 	snop  }
0x7: {  	_ = 	snop  }
__scs_overlays_trampoline_lowered:
0x8: {  	[smem:$0x3FAC] =	sst s0  }
0x9: {  	[smem:$0x3FAD] =	sst s1  }
0xa: {  	[smem:$0x3FAE] =	sst s2  }
0xb: {  	[smem:$0x3FAF] =	sst s3  }
0xc: {  	[smem:$0x3FB0] =	sst s4  }
0xd: {  	[smem:$0x3FB1] =	sst s5  }
0xe: {  	[smem:$0x3FB2] =	sst s6  }
0xf: {  	[smem:$0x3FB3] =	sst s7  }
0x10: {  	[smem:$0x3FB4] =	sst s8  }
0x11: {  	[smem:$0x3FB5] =	sst s9;
	s0 =	simm.s32 @!p0 $0x0  }
0x12: {  	s1 =	sld [smem:$0x3F9B];
	s0 =	simm.s32 @p0 $0x1  }
0x13: {  	[smem:$0x3FB6] =	sst s0;
	s0 =	simm.s32 @!p1 $0x0  }
0x14: {  	s2 =	sld [smem:$0x3F9A];
	s0 =	simm.s32 @p1 $0x1  }
0x15: {  	[smem:$0x3FB7] =	sst s0;
	s0 =	simm.s32 @!p2 $0x0  }
0x16: {  	s3 =	sld [smem:$0x3FDB];
	s0 =	simm.s32 @p2 $0x1  }
0x17: {  	s4 =	simm.s32 $0x1BF5;
	[smem:$0x3FB9] =	sst s0  }
0x18: {  	s0 =	sld [smem:$0x3F9C];
	_ =	swait.ge [sflag:s4], $0x0  }
0x19: {  	s7 =	sld [smem:$0x3F9D]  }
0x1a: {  	s8 =	sadd.s32 $0xFFFFE003, lr  }
0x1b: {  	s9 =	sadd.s32 $0xFFFFFEF7, lr;
	s5 =	simm.s32 $0xFFFFFFFF;
	p2 =	slt.u32 s8, $0xFFFFF086  }
0x1c: {  	p1 =	slt.u32 s9, $0xF7A;
	s5 =	simm.s32 @!p2 $0x0  }
0x1d: {  	s5 =	simm.s32 @p1 $0x1;
	p0 =	seq.s32 s7, s2  }
0x1e: {  	s7 =	smul.u32 @!p0 $0xF7A, s2;
	p2 =	seq.s32 @!p0 s5, $0x0  }
0x1f: {  	s9 =	smul.u32 $0xF7A, s1;
	s8 =	simm.s32 @!p0 $0x1BF5;
	p2 =	por !p2, p0  }
0x20: {  	[sflag:s8] =	ssyncset.s32 @!p0 $0xFFFFF086;
	s6 =	sadd.s32 @!p0 s3, s7;
	s7 =	simm.s32 @!p0 $0x108  }
0x21: {  	s3 =	sadd.s32 s3, s9;
	s6 =	sadd.s32 @!p0 $0x88, s6;
	s7 =	simm.s32 @p2 $0x1082  }
0x22: {  	[simem:s7], [sflag:s8] =	dma.local @!p0 [hbm:s6], $0xF7A  }
0x23: {  	s9 =	sor.u32 $0xD0000000, s2;
	s6 =	simm.s32 $0x108;
	_ =	swait.ge @!p0 [sflag:s8], $0x0  }
0x24: {  	s3 =	sadd.s32 $0x88, s3;
	s6 =	simm.s32 @!p1 $0x1082;
	[sflag:s4] =	ssyncset.s32 $0xFFFFF086  }
0x25: {  	[simem:s6], [sflag:s4] =	dma.local [hbm:s3], $0xF7A  }
0x26: {  	[smem:$0x3F9D] =	sst s1;
	(tag) =	ssettag s2;
	_ =	strace s9  }
0x27: {  	s1 =	sld [smem:$0x3FAD]  }
0x28: {  	s2 =	sld [smem:$0x3FAE]  }
0x29: {  	s4 =	sld [smem:$0x3FB0]  }
0x2a: {  	p0 =	seq.s32 s5, $0x0;
	s5 =	sld [smem:$0x3FB1]  }
0x2b: {  	s6 =	sld [smem:$0x3FB2]  }
0x2c: {  	s7 =	sld [smem:$0x3FB3]  }
0x2d: {  	s3 =	simm.s32 $0x108;
	s8 =	sld [smem:$0x3FB4]  }
0x2e: {  	s3 =	simm.s32 @!p0 $0x1082;
	s9 =	sld [smem:$0x3FB5]  }
0x2f: {  	lr =	sadd.s32 s0, s3;
	s0 =	sld [smem:$0x3FAC]  }
0x30: {  	s3 =	sld [smem:$0x3FAF]  }
0x31: {  	[smem:$0x3FB8] =	sst s10  }
0x32: {  	s10 =	sld [smem:$0x3FB6];
	_ =	sdelay $0x3  }
0x33: {  	p0 =	seq.s32 s10, $0x1;
	s10 =	sld [smem:$0x3FB8];
	_ =	sdelay $0x3  }
0x34: {  	[smem:$0x3FB8] =	sst s10  }
0x35: {  	s10 =	sld [smem:$0x3FB7];
	_ =	sdelay $0x3  }
0x36: {  	p1 =	seq.s32 s10, $0x1;
	s10 =	sld [smem:$0x3FB8];
	_ =	sdelay $0x3  }
0x37: {  	[smem:$0x3FB8] =	sst s10  }
0x38: {  	s10 =	sld [smem:$0x3FB9]  }
0x39: {  	_ = 	snop;
	(pc) =	sbr.ind lr, $3  }
0x3a: {  	_ = 	snop  }
0x3b: {  	_ = 	snop  }
0x3c: {  	p2 =	seq.s32 s10, $0x1;
	s10 =	sld [smem:$0x3FB8]  }
0x3d: {  	_ =	shalt  }
0x3e: {  	_ =	shalt  }
0x3f: {  	_ =	shalt  }
0x40: {  	_ =	shalt  }
0x41: {  	_ =	shalt  }
0x42: {  	_ =	shalt  }
0x43: {  	_ =	shalt  }
0x44: {  	_ =	shalt  }
0x45: {  	_ =	shalt  }
0x46: {  	_ =	shalt  }
0x47: {  	_ =	shalt  }
0x48: {  	_ =	shalt  }
0x49: {  	_ =	shalt  }
0x4a: {  	_ =	shalt  }
0x4b: {  	_ =	shalt  }
0x4c: {  	_ =	shalt  }
0x4d: {  	_ =	shalt  }
0x4e: {  	_ =	shalt  }
0x4f: {  	_ =	shalt  }
0x50: {  	_ =	shalt  }
0x51: {  	_ =	shalt  }
0x52: {  	_ =	shalt  }
0x53: {  	_ =	shalt  }
0x54: {  	_ =	shalt  }
0x55: {  	_ =	shalt  }
0x56: {  	_ =	shalt  }
0x57: {  	_ =	shalt  }
0x58: {  	_ =	shalt  }
0x59: {  	_ =	shalt  }
0x5a: {  	_ =	shalt  }
0x5b: {  	_ =	shalt  }
0x5c: {  	_ =	shalt  }
0x5d: {  	_ =	shalt  }
0x5e: {  	_ =	shalt  }
0x5f: {  	_ =	shalt  }
0x60: {  	_ =	shalt  }
0x61: {  	_ =	shalt  }
0x62: {  	_ =	shalt  }
0x63: {  	_ =	shalt  }
0x64: {  	_ =	shalt  }
0x65: {  	_ =	shalt  }
0x66: {  	_ =	shalt  }
0x67: {  	_ =	shalt  }
0x68: {  	_ =	shalt  }
0x69: {  	_ =	shalt  }
0x6a: {  	_ =	shalt  }
0x6b: {  	_ =	shalt  }
0x6c: {  	_ =	shalt  }
0x6d: {  	_ =	shalt  }
0x6e: {  	_ =	shalt  }
0x6f: {  	_ =	shalt  }
0x70: {  	_ =	shalt  }
0x71: {  	_ =	shalt  }
0x72: {  	_ =	shalt  }
0x73: {  	_ =	shalt  }
0x74: {  	_ =	shalt  }
0x75: {  	_ =	shalt  }
0x76: {  	_ =	shalt  }
0x77: {  	_ =	shalt  }
0x78: {  	_ =	shalt  }
0x79: {  	_ =	shalt  }
0x7a: {  	_ =	shalt  }
0x7b: {  	_ =	shalt  }
0x7c: {  	_ =	shalt  }
0x7d: {  	_ =	shalt  }
0x7e: {  	_ =	shalt  }
0x7f: {  	_ =	shalt  }
0x80: {  	_ =	shalt  }
0x81: {  	_ =	shalt  }
0x82: {  	_ =	shalt  }
0x83: {  	_ =	shalt  }
0x84: {  	_ =	shalt  }
0x85: {  	_ =	shalt  }
0x86: {  	_ =	shalt  }
0x87: {  	_ =	shalt  }
.Lfunc_end0:
.L_simem_size_0:
called_computation_lowered:
.L_overlay_start_0:
0x88: {  	s2 =	sld [smem:$0x3FD9]  }
0x89: {  	s3 =	sld [smem:$0x3FFE];
	_ =	sdelay $0x1  }
0x8a: {  	s1 =	srdreg.scid  }
0x8b: {  	s0 =	sand.u32 $0x1, s1  }
0x8c: {  	s18 =	sshll.u32 s0, $0xA;
	s2 =	sadd.s32 s3, s2  }
0x8d: {  	s2 =	sadd.s32 s2, s18  }
0x8e: {  	[smem:$0x3FC4] =	sst s2  }
0x8f: {  	_ = 	snop  }
0x90: {  	s2 =	sld [smem:$0x3FC9]  }
0x91: {  	s19 =	sld [smem:$0x3FC8]  }
0x92: {  	s4 =	sld [smem:$0x3FC7]  }
0x93: {  	s5 =	sld [smem:$0x3FC6]  }
0x94: {  	s6 =	sld [smem:$0x3FD0];
	(tm) =	ssettm $0x1  }
0x95: {  	s7 =	sld [smem:$0x3FFB];
	_ =	sdelay $0x3  }
0x96: {  	_ =	strace s7  }
0x97: {  	s7 =	sld [smem:$0x3FFC];
	_ =	sdelay $0x3  }
0x98: {  	_ =	strace s7  }
0x99: {  	s7 =	sld [smem:$0x3FFD];
	_ =	sdelay $0x3  }
0x9a: {  	_ =	strace s7  }
0x9b: {  	_ =	strace $0x8FFFFFFF  }
0x9c: {  	s20 =	sld [smem:$0x3FDB];
	_ =	sdelay $0x1  }
0x9d: {  	s8 =	simm.s32 $_scs_section_size  }
0x9e: {  	s9 =	simm.s32 $_size__tile_overlayer_lowered;
	s10 =	simm.s32 $_tile_overlayer_lowered  }
0x9f: {  	s23 =	simm.s32 $0x1BFF;
	s22 =	sshll.u32 s10, $0x1;
	s7 =	sadd.s32 s8, s20  }
0xa0: {  	s11 =	simm.s32 $0x0;
	s21 =	sshll.u32 s9, $0x1;
	s9 =	sadd.s32 s22, s7  }
0xa1: {  	[timem:s11], [sflag:s23] =	dma.local [hbm:s9], s21  }
0xa2: {  	_ =	swait.ge [sflag:s23], s21  }
0xa3: {  	s8 =	ssub.s32 $0x0, s21;
	[sflag:s23] =	ssyncset.done $0x0  }
0xa4: {  	[sflag:s23] =	ssyncadd.s32 s8;
	_ =	sdelay $0x1  }
0xa5: {  	s24 =	simm.s32 $0x1B8B  }
0xa6: {  	_ =	swait.ge [sflag:s24], $0x1  }
0xa7: {  	[sflag:s24] =	ssyncset.done $0x0  }
0xa8: {  	s25 =	simm.s32 $0x1B8E;
	[sflag:s24] =	ssyncadd.s32 $0xFFFFFFFF  }
0xa9: {  	s26 =	simm.s32 $execute0_lowered;
	[smem:$0x3FD2] =	sst s25  }
0xaa: {  	s8 =	sshll.u32 s26, $0x1;
	_ =	strace $0x80000046;
	[dreg:$0x1] =	wrdreg $0xFFFFFFFF  }
0xab: {  	s28 =	simm.s32 $_size_execute0_lowered;
	s7 =	sadd.s32 s7, s8;
	[dreg:$0x0] =	wrdreg $0x0  }
0xac: {  	s8 =	sshll.u32 s28, $0x1;
	[dreg:$0x2] =	wrdreg s7  }
0xad: {  	[dreg:$0x3] =	wrdreg s8  }
0xae: {  	[dreg:$0x4] =	wrdreg $0xC0  }
0xaf: {  	_ =	task [dreg:s11], $0x5FFFF  }
0xb0: {  	[dreg:$0x1] =	wrdreg $0xFFFFFFFF  }
0xb1: {  	[dreg:$0x0] =	wrdreg $0x60  }
0xb2: {  	[dreg:$0x2] =	wrdreg s2  }
0xb3: {  	[dreg:$0x3] =	wrdreg s19  }
0xb4: {  	[dreg:$0x4] =	wrdreg s4  }
0xb5: {  	[dreg:$0x5] =	wrdreg s5  }
0xb6: {  	[dreg:$0x6] =	wrdreg s6  }
0xb7: {  	[dreg:$0x7] =	wrdreg $0x9  }
0xb8: {  	_ =	task.clear_ibuf [dreg:s11], $0x8FFFF;
	_ =	strace $0x90000046  }
0xb9: {  	s29 =	simm.s32 $0x9;
	_ =	strace $0x80000048  }
0xba: {  	_ =	swait.ge [sflag:s29], $0x1  }
0xbb: {  	[sflag:s29] =	ssyncadd.s32 $0xFFFFFFFF  }
0xbc: {  	_ =	strace $0x90000048  }
0xbd: {  	_ =	sfence  }
0xbe: {  	s30 =	sld [smem:$0x0];
	_ =	sdelay $0x2  }
0xbf: {  	s31 =	sshll.u32 s1, $0xD;
	s1 =	sshrl.u32 s1, $0x2  }
0xc0: {  	s3 =	sand.u32 $0x4000, s31;
	s1 =	sadd.s32 s1, s30  }
0xc1: {  	s0 =	sor.u32 s3, s0;
	s1 =	sshll.u32 s1, $0x11  }
0xc2: {  	s0 =	sor.u32 s1, s0  }
0xc3: {  	s0 =	sadd.s32 $0x8F2B, s0  }
0xc4: {  	[sflag:s0] =	ssyncadd.remote.s32 $0x1  }
0xc5: {  	_ =	sfence.sel $0xFFFF  }
0xc6: {  	[dreg:$0x0] =	wrdreg $0xFFFFFFFF;
	(pc) =	sbr.abs _section_cstart, $3  }
0xc7: {  	[dreg:$0x1] =	wrdreg $0xFFFFFFFF  }
0xc8: {  	_ =	task.clear_ibuf [dreg:s11], $0x2FFFF;
	_ =	strace $0x9FFFFFFF  }
0xc9: {  	(tm) =	ssettm $0x7FFFFFFF  }
tec
execute0_lowered:
.L_overlay_start_1:
0x0: {  	(tag) =	ssettag $0x1  }
0x1: {  	s1 =	rddreg [dreg:$0x0]  }
0x2: {  	s6 =	rddreg [dreg:$0x1]  }
0x3: {  	s2 =	rddreg [dreg:$0x2]  }
0x4: {  	s4 =	rddreg [dreg:$0x3]  }
0x5: {  	s9 =	rddreg [dreg:$0x4]  }
0x6: {  	s0 =	rddreg [dreg:$0x5]  }
0x7: {  	s7 =	srdreg.scid;
	s3 =	stileid.u32  }
0x8: {  	s5 =	simm.s32 $0x0;
	s13 =	simm.s32 $0x3;
	s14 =	simm.s32 $0x80  }
0x9: {  	s15 =	simm.s32 $0x100;
	s16 =	simm.s32 $0x2;
	s17 =	simm.s32 $0x1  }
0xa: {  	s18 =	simm.s32 $0x0;
	s7 =	sand.u32 $0x1, s7;
	s8 =	sshll.u32 s3, $0x1  }
0xb: {  	[smem:$0x7FF] =	sst s5;
	s10 =	ssub.s32 $0x2, s7;
	s7 =	sor.u32 s7, s8  }
0xc: {  	_ =	strace $0x80000047;
	s11 =	sshrl.u32 s10, $0x1;
	s12 =	sshll.u32 s7, $0x7  }
0xd: {  	v1 =	vlaneseq.u32;
	s31 =	sshll.u32 s7, $0x3;
	s7 =	sand.u32 $0x10, s8;
	s10 =	ssub.s32 s10, s11  }
0xe: {  	v2 =	vimm.s32 $0x0;
	v0 =	vor.u32 $0xFFFFFFE0, v1;
	s6 =	sadd.s32 s6, s12;
	s8 =	sor.u32 $0x80, s31;
	s9 =	sadd.s32 s9, s12  }
0xf: {  	vm0 =	vmmov $0xff;
	v1 =	vmul.u32 $0x8, v1;
	s11 =	simm.s32 $0x500;
	s12 =	simm.s32 $0x900;
	v0 =	vor.u32 s7, v0;
	s10 =	smax.u32 s10, $0x1  }
.LBB2_1:
0x10: {  	[tilespmem:s11], [sflag:$0x2] =	stream.linear.gather [hbm4b:s6+s5], $0x400, $0x38;
	[tilespmem:$0x980] =	vst v63  }
0x11: {  	_ = 	snop  }
0x12: {  	[tilespmem:s12], [sflag:$0x2] =	stream.linear.gather [hbm4b:s4+s5], $0x80, $0x38;
	[tilespmem:$0x980] =	vst v63  }
0x13: {  	_ = 	snop  }
0x14: {  	[tilespmem:s5], [sflag:$0x3] =	stream.linear.gather [hbm4b:s1+s5], $0x80, $0x38;
	[tilespmem:$0x980] =	vst v63  }
0x15: {  	_ =	swait.ge [sflag:s13], $0x80  }
0x16: {  	[sflag:s13] =	ssyncset.done $0x0  }
0x17: {  	[sflag:s13] =	ssyncadd.s32 $0xFFFFFF80  }
0x18: {  	v3 =	vld [tilespmem:s7+$0x0];
	_ =	sdelay $0x4  }
0x19: {  	v3 =	vshll.u32 v3, $0x5  }
0x1a: {  	v3 =	vadd.s32 v0, v3  }
0x1b: {  	[tilespmem:v1+s14+$0x0] =	vst.idx.msk $0xffff, v3  }
0x1c: {  	v3 =	vld.msk [tilespmem:s8+$0x0], $0x1;
	_ =	sdelay $0x4  }
0x1d: {  	v4 =	vshll.u32 v3, $0x3  }
0x1e: {  	v3 =	vand.u32 $0x7, v3;
	v4 =	vand.u32 $0xFFFFFFC0, v4  }
0x1f: {  	v3 =	vor.u32 v3, v4  }
0x20: {  	v3 =	vperm.xlane v3, v2;
	_ =	sdelay $0x1  }
0x21: {  	v3 =	vadd.s32 v1, v3;
	_ =	sdelay $0x4  }
0x22: {  	[tilespmem:s15], [sflag:$0x1] =	stream.indirect_vreg.gather [hbm4b:s2+s5], $0x80, v3, vm0, $0xb8;
	[tilespmem:$0x980] =	vst v63  }
0x23: {  	_ =	swait.ge [sflag:s16], $0x80  }
0x24: {  	[sflag:s16] =	ssyncset.done $0x0  }
0x25: {  	[sflag:s16] =	ssyncadd.s32 $0xFFFFFF80  }
0x26: {  	_ =	swait.ge [sflag:s16], $0x400  }
0x27: {  	[sflag:s16] =	ssyncset.done $0x0  }
0x28: {  	[sflag:s16] =	ssyncadd.s32 $0xFFFFFC00  }
0x29: {  	_ =	swait.ge [sflag:s17], $0x400  }
0x2a: {  	[sflag:s17] =	ssyncset.done $0x0  }
0x2b: {  	[sflag:s17] =	ssyncadd.s32 $0xFFFFFC00  }
0x2c: {  	s19 =	simm.s32 $0x0;
	v3 =	vld.msk [tilespmem:s12+$0x0], $0xffff  }
0x2d: {  	s20 =	simm.s32 $0x40;
	v4 =	vld [tilespmem:s19+$0x100]  }
.LBB2_2:
0x2e: {  	p0 =	sne.s32 s20, $0xFC0;
	v5 =	vld [tilespmem:s19+$0x500];
	_ =	sdelay $0x4  }
.Ltmp0:
0x2f: {  	v4 =	vmul.f32 v4, v3;
	v5 =	vmul.f32 $3.200000000e+01, v5;
	(pc) =	sbr.rel @p0 .LBB2_2-.Ltmp0, $4  }
0x30: {  	_ = 	snop  }
0x31: {  	v5 =	vadd.f32 v4, v5  }
0x32: {  	s21 =	sshra.s32 s20, $0x2  }
0x33: {  	s20 =	sadd.s32 $0x40, s20;
	v4 =	vld [tilespmem:s21+$0x100];
	[tilespmem:s19+$0x500] =	vst v5;
	s19 =	smov.u32 s21  }
0x34: {  	v5 =	vld [tilespmem:s19+$0x500];
	_ =	sdelay $0x4  }
0x35: {  	v3 =	vmul.f32 v4, v3;
	v5 =	vmul.f32 $3.200000000e+01, v5;
	_ =	sdelay $0x1  }
0x36: {  	s18 =	sadd.s32 $0x1, s18;
	v3 =	vadd.f32 v3, v5  }
0x37: {  	p0 =	sne.s32 s18, s10  }
.Ltmp1:
0x38: {  	[tilespmem:s19+$0x500] =	vst v3;
	(pc) =	sbr.rel @p0 .LBB2_1-.Ltmp1, $4  }
0x39: {  	[hbm4b:s9+s5] =	stream.linear.scatter [tilespmem:s11], [sflag:$0x3], $0x400, $0x38;
	[tilespmem:$0x980] =	vst v63  }
0x3a: {  	_ =	swait.ge [sflag:s13], $0x400  }
0x3b: {  	[sflag:s13] =	ssyncset.done $0x0  }
0x3c: {  	[sflag:s13] =	ssyncadd.s32 $0xFFFFFC00  }
0x3d: {  	_ =	sfence.sel $0x180000  }
0x3e: {  	[bflag:$0x0] =	sbarrier.arrive $0xFFFF  }
0x3f: {  	p0 =	sne.s32 s3, $0x0;
	_ =	strace $0x90000047  }
0x40: {  	s0 =	sadd.s32 @!p0 $0x100000, s0;
	[bflag:$0x2] =	sbarrier.arrive $0xFFFF  }
0x41: {  	[sflag:s0] =	ssyncadd.tile.s32 @!p0 $0x1;
	_ =	shalt  }
.Lfunc_end2:
_tile_overlayer_lowered:
.L_overlay_start_2:
0x42: {  	(tag) =	ssettag $0x2  }
0x43: {  	s0 =	rddreg [dreg:$0x0];
	s2 =	stileid.u32  }
0x44: {  	s1 =	rddreg [dreg:$0x1];
	p0 =	sne.s32 s2, $0x0  }
0x45: {  	s3 =	rddreg [dreg:$0x2];
	[bflag:$0x3] =	sbarrier.arrive $0xFFFF;
	s2 =	simm.s32 @!p0 $0x1C03  }
0x46: {  	[timem:s3], [sflag:s2] =	dma.local @!p0 [hbm:s0], s1  }
0x47: {  	s0 =	simm.s32 @!p0 $0x3  }
0x48: {  	_ =	swait.ge @!p0 [sflag:s0], s1  }
0x49: {  	s1 =	ssub.s32 @!p0 $0x0, s1;
	[sflag:s0] =	ssyncset.done @!p0 $0x0  }
0x4a: {  	[sflag:s0] =	ssyncadd.s32 @!p0 s1  }
0x4b: {  	[bflag:$0x3] =	sbarrier.arrive $0xFFFF  }
0x4c: {  	_ =	shalt  }

</sc_bundles>
